<compile_context>
chip_gen: v7x
topology: tpu7x:2x2x1
jax: 0.10.2.dev20260603
libtpu: 0.0.44.dev20260713+nightly
codegen_flags: <defaults>
</compile_context>

<pallas_src>
import functools

import jax
import jax.numpy as jnp
from jax import lax
from jax.experimental import pallas as pl
from jax.experimental.pallas import tpu as pltpu
from jax.experimental.pallas import tpu_sc as plsc

N_NODES = 10000
N_EDGES = 320000
D = 128

CHUNK = 128
NUM_CHUNKS = N_EDGES // CHUNK
NC = 2
NS = 16
NW = NC * NS
PER_W = 80
PAD_CHUNKS = NW * PER_W
STEP = CHUNK
ROWS_PER_TILE = (N_NODES // NS) // 8 * 8
TAIL_ROWS = N_NODES - ROWS_PER_TILE * NS


def _sc_scatter(edge_attr, rec2d, zeros_nd):
  mesh = plsc.VectorSubcoreMesh(core_axis_name="c", subcore_axis_name="s")

  @functools.partial(
      pl.kernel,
      mesh=mesh,
      out_type=jax.ShapeDtypeStruct((NC, N_NODES, D), jnp.float32),
      scratch_types=[
          pltpu.VMEM((PER_W, CHUNK), jnp.int32),
          pltpu.VMEM((STEP, D), jnp.float32),
          pltpu.VMEM((STEP, D), jnp.float32),
          pltpu.VMEM_SHARED((N_NODES, D), jnp.float32),
          pltpu.SemaphoreType.DMA,
          pltpu.SemaphoreType.DMA,
          pltpu.SemaphoreType.DMA,
          pltpu.SemaphoreType.DMA,
      ],
  )
  def k(edge_hbm, rec_hbm, zero_hbm, out_hbm, rec_v, ebuf0, ebuf1, acc_sh,
        fsem0, fsem1, ssem0, ssem1):
    cid = lax.axis_index("c")
    sid = lax.axis_index("s")
    wid = sid * NC + cid

    r0 = sid * ROWS_PER_TILE
    pltpu.sync_copy(zero_hbm.at[pl.ds(r0, ROWS_PER_TILE)],
                    acc_sh.at[pl.ds(r0, ROWS_PER_TILE)])

    @pl.when(sid == NS - 1)
    def _():
      pltpu.sync_copy(zero_hbm.at[pl.ds(ROWS_PER_TILE * NS, TAIL_ROWS)],
                      acc_sh.at[pl.ds(ROWS_PER_TILE * NS, TAIL_ROWS)])

    plsc.subcore_barrier()

    base = wid * PER_W
    cnt = jnp.clip(NUM_CHUNKS - base, 0, PER_W)
    steps = cnt
    pairs = steps // 2
    base_e = base * CHUNK
    pltpu.sync_copy(rec_hbm.at[pl.ds(base, PER_W)], rec_v)

    def fetch(s, buf, sem):
      pltpu.make_async_copy(
          edge_hbm.at[pl.ds(base_e + s * STEP, STEP)], buf, sem).start()

    def wait_fetch(buf, sem):
      pltpu.make_async_copy(edge_hbm.at[pl.ds(0, STEP)], buf, sem).wait()

    def drain(s, buf, sem):
      wait_fetch(buf, sem)
      pltpu.sync_copy(buf, acc_sh.at[rec_v.at[s]], add=True)

      @pl.when(s + 2 < steps)
      def _():
        fetch(s + 2, buf, sem)

    fetch(0, ebuf0, fsem0)
    fetch(1, ebuf1, fsem1)

    def body(p, carry):
      drain(2 * p, ebuf0, fsem0)
      drain(2 * p + 1, ebuf1, fsem1)
      return carry

    lax.fori_loop(0, pairs, body, 0)

    plsc.subcore_barrier()

    pltpu.sync_copy(acc_sh.at[pl.ds(r0, ROWS_PER_TILE)],
                    out_hbm.at[cid, pl.ds(r0, ROWS_PER_TILE)])

    @pl.when(sid == NS - 1)
    def _():
      pltpu.sync_copy(acc_sh.at[pl.ds(ROWS_PER_TILE * NS, TAIL_ROWS)],
                      out_hbm.at[cid, pl.ds(ROWS_PER_TILE * NS, TAIL_ROWS)])

  return k(edge_attr, rec2d, zeros_nd)


def _tc_mlp(node_attr, partials, w1a, w1b, b1, w2, b2):

  def body(node_ref, p_ref, w1a_ref, w1b_ref, b1_ref, w2_ref, b2_ref, out_ref):
    agg = p_ref[0] + p_ref[1]
    mean = jnp.sum(agg, axis=0, keepdims=True) * (1.0 / N_NODES)
    z = agg - mean
    h = jnp.dot(node_ref[...], w1a_ref[...],
                preferred_element_type=jnp.float32)
    h += jnp.dot(z, w1b_ref[...], preferred_element_type=jnp.float32)
    h = jnp.maximum(h + b1_ref[...], 0.0)
    out_ref[...] = jnp.dot(h, w2_ref[...],
                           preferred_element_type=jnp.float32) + b2_ref[...]

  return pl.pallas_call(
      body,
      out_shape=jax.ShapeDtypeStruct((N_NODES, D), jnp.float32),
  )(node_attr, partials, w1a, w1b, b1, w2, b2)


def kernel(node_attr, edge_index, edge_attr, W1, b1, W2, b2):
  receivers = edge_index[1]
  rec2d = jnp.zeros((PAD_CHUNKS, CHUNK), jnp.int32)
  rec2d = rec2d.at[:NUM_CHUNKS].set(receivers.reshape(NUM_CHUNKS, CHUNK))
  zeros_nd = jnp.zeros((N_NODES, D), jnp.float32)

  partials = _sc_scatter(edge_attr, rec2d, zeros_nd)

  w1a = W1[:D]
  w1b = W1[D:]
  x = _tc_mlp(node_attr, partials, w1a, w1b,
              b1.reshape(1, D), W2, b2.reshape(1, D))
  return (x, edge_index, edge_attr)

# --- scband reference (transcript-rebuilt; emitter-appended) ---
"""Pipeline reference for scband-node-block-12120397709384 (READ-ONLY COPY).

The authoritative reference and input builder live on the scoring server;
editing this copy changes nothing except your own understanding.
"""

import jax, jax.numpy as jnp
import numpy as np

N = 10000
E = 320000
D = 128  # hidden_size


def setup_inputs(seed: int = 0) -> dict:
    key = jax.random.key(seed)
    k1, k2, k3, k4, k5 = jax.random.split(key, 5)
    node_attr = jax.random.normal(k1, (N, D), dtype=jnp.float32)
    edge_index = jax.random.randint(k2, (2, E), 0, N, dtype=jnp.int32)
    edge_attr = jax.random.normal(k3, (E, D), dtype=jnp.float32)
    # MLP(hidden_size*2 -> hidden_size -> hidden_size) parameters
    W1 = jax.random.normal(k4, (2 * D, D), dtype=jnp.float32) * 0.05
    b1 = jnp.zeros((D,), dtype=jnp.float32)
    W2 = jax.random.normal(k5, (D, D), dtype=jnp.float32) * 0.05
    b2 = jnp.zeros((D,), dtype=jnp.float32)
    return {"node_attr": node_attr, "edge_index": edge_index, "edge_attr": edge_attr,
            "W1": W1, "b1": b1, "W2": W2, "b2": b2}


def reference(node_attr, edge_index, edge_attr, W1, b1, W2, b2):
    receivers = edge_index[1]
    # scatter_add(edge_attr, receivers, dim=0, dim_size=N)
    agg = jnp.zeros((node_attr.shape[0], edge_attr.shape[1]), dtype=edge_attr.dtype)
    agg = agg.at[receivers].add(edge_attr)
    # ib_e = True -> subtract column-wise mean over nodes
    agg = agg - jnp.mean(agg, axis=0)
    collected = jnp.concatenate([node_attr, agg], axis=-1)
    # MLP: Linear -> ReLU -> Linear
    h = jnp.maximum(collected @ W1 + b1, 0.0)
    x = h @ W2 + b2
    return (x, edge_index, edge_attr)

if __name__ == "__main__":
    import jax
    _d = setup_inputs()
    print(jax.jit(kernel)(*tuple(_d.values())))

</pallas_src>

<mosaic_0001>
#map = affine_map<(d0, d1) -> (0, 0)>
#map1 = affine_map<(d0, d1) -> (0, 0, 0)>
module attributes {stable_mosaic.version = 14 : i64} {
  func.func @k(%arg0: i32, %arg1: i32, %arg2: memref<320000x128xf32, #tpu.memory_space<hbm>>, %arg3: memref<2560x128xi32, #tpu.memory_space<hbm>>, %arg4: memref<10000x128xf32, #tpu.memory_space<hbm>>, %arg5: memref<2x10000x128xf32, #tpu.memory_space<hbm>>, %arg6: memref<80x128xi32, #tpu.memory_space<vmem>>, %arg7: memref<128x128xf32, #tpu.memory_space<vmem>>, %arg8: memref<128x128xf32, #tpu.memory_space<vmem>>, %arg9: memref<10000x128xf32, #tpu.memory_space<vmem_shared>>, %arg10: memref<!tpu.dma_semaphore, #tpu.memory_space<semaphore_mem>>, %arg11: memref<!tpu.dma_semaphore, #tpu.memory_space<semaphore_mem>>, %arg12: memref<!tpu.dma_semaphore, #tpu.memory_space<semaphore_mem>>, %arg13: memref<!tpu.dma_semaphore, #tpu.memory_space<semaphore_mem>>) attributes {dimension_semantics = [#tpu.dimension_semantics<core_parallel>, #tpu.dimension_semantics<subcore_parallel>], iteration_bounds = array<i64: 2, 16>, scalar_prefetch = 0 : i64, scratch_operands = 8 : i64, tpu.core_type = #tpu.core_type<sc_vector_subcore>, window_params = [{transform_indices = #map}, {transform_indices = #map}, {transform_indices = #map}, {transform_indices = #map1}]} {
    %mul3A = arith.constant 2 : i32
    %mul3A_0 = arith.muli %arg1, %mul3A : i32
    %add3A = arith.addi %mul3A_0, %arg0 : i32
    %mul3A_1 = arith.constant 624 : i32
    %mul3A_2 = arith.muli %arg1, %mul3A_1 : i32
    "tpu.region"() ({
      %run_scoped3A = tpu.sem_alloc : memref<!tpu.dma_semaphore, #tpu.memory_space<semaphore_mem>>
      %dma_start3A_55 = arith.constant 0 : i32
      %dma_start3A_56 = tpu.memref_slice %arg9[%mul3A_2, %dma_start3A_55] : memref<10000x128xf32, #tpu.memory_space<vmem_shared>> -> memref<624x128xf32, #tpu.memory_space<vmem_shared>>
      %dma_start3A_57 = arith.constant 0 : i32
      %dma_start3A_58 = tpu.memref_slice %arg4[%mul3A_2, %dma_start3A_57] : memref<10000x128xf32, #tpu.memory_space<hbm>> -> memref<624x128xf32, #tpu.memory_space<hbm>>
      tpu.enqueue_dma source(%dma_start3A_58 : memref<624x128xf32, #tpu.memory_space<hbm>>) target(%dma_start3A_56 : memref<624x128xf32, #tpu.memory_space<vmem_shared>>) target_semaphore(%run_scoped3A : memref<!tpu.dma_semaphore, #tpu.memory_space<semaphore_mem>>)
      %dma_wait3A = arith.constant 0 : i32
      %dma_wait3A_59 = tpu.memref_slice %arg9[%mul3A_2, %dma_wait3A] : memref<10000x128xf32, #tpu.memory_space<vmem_shared>> -> memref<624x128xf32, #tpu.memory_space<vmem_shared>>
      %dma_wait3A_60 = arith.constant 0 : i32
      %dma_wait3A_61 = tpu.memref_slice %arg4[%mul3A_2, %dma_wait3A_60] : memref<10000x128xf32, #tpu.memory_space<hbm>> -> memref<624x128xf32, #tpu.memory_space<hbm>>
      tpu.wait_dma2 semaphore(%run_scoped3A : memref<!tpu.dma_semaphore, #tpu.memory_space<semaphore_mem>>) src(%dma_wait3A_61 : memref<624x128xf32, #tpu.memory_space<hbm>>) dst(%dma_wait3A_59 : memref<624x128xf32, #tpu.memory_space<vmem_shared>>)
      tpu.yield
    }) : () -> ()
    %eq3A = arith.constant 15 : i32
    %eq3A_3 = arith.cmpi eq, %arg1, %eq3A : i32
    %convert_element_type3A = arith.extui %eq3A_3 : i1 to i32
    %cond3A = arith.constant 0 : i32
    %cond3A_4 = arith.cmpi ne, %convert_element_type3A, %cond3A : i32
    scf.if %cond3A_4 {
      "tpu.region"() ({
        %run_scoped3A = tpu.sem_alloc : memref<!tpu.dma_semaphore, #tpu.memory_space<semaphore_mem>>
        %dma_start3A_55 = arith.constant 9984 : i32
        %dma_start3A_56 = arith.constant 0 : i32
        %dma_start3A_57 = tpu.memref_slice %arg9[%dma_start3A_55, %dma_start3A_56] : memref<10000x128xf32, #tpu.memory_space<vmem_shared>> -> memref<16x128xf32, #tpu.memory_space<vmem_shared>>
        %dma_start3A_58 = arith.constant 9984 : i32
        %dma_start3A_59 = arith.constant 0 : i32
        %dma_start3A_60 = tpu.memref_slice %arg4[%dma_start3A_58, %dma_start3A_59] : memref<10000x128xf32, #tpu.memory_space<hbm>> -> memref<16x128xf32, #tpu.memory_space<hbm>>
        tpu.enqueue_dma source(%dma_start3A_60 : memref<16x128xf32, #tpu.memory_space<hbm>>) target(%dma_start3A_57 : memref<16x128xf32, #tpu.memory_space<vmem_shared>>) target_semaphore(%run_scoped3A : memref<!tpu.dma_semaphore, #tpu.memory_space<semaphore_mem>>)
        %dma_wait3A = arith.constant 9984 : i32
        %dma_wait3A_61 = arith.constant 0 : i32
        %dma_wait3A_62 = tpu.memref_slice %arg9[%dma_wait3A, %dma_wait3A_61] : memref<10000x128xf32, #tpu.memory_space<vmem_shared>> -> memref<16x128xf32, #tpu.memory_space<vmem_shared>>
        %dma_wait3A_63 = arith.constant 9984 : i32
        %dma_wait3A_64 = arith.constant 0 : i32
        %dma_wait3A_65 = tpu.memref_slice %arg4[%dma_wait3A_63, %dma_wait3A_64] : memref<10000x128xf32, #tpu.memory_space<hbm>> -> memref<16x128xf32, #tpu.memory_space<hbm>>
        tpu.wait_dma2 semaphore(%run_scoped3A : memref<!tpu.dma_semaphore, #tpu.memory_space<semaphore_mem>>) src(%dma_wait3A_65 : memref<16x128xf32, #tpu.memory_space<hbm>>) dst(%dma_wait3A_62 : memref<16x128xf32, #tpu.memory_space<vmem_shared>>)
        tpu.yield
      }) : () -> ()
    } else {
    }
    %barrier3A = arith.constant 0 : index
    tpu.barrier barrier_id(%barrier3A)
    %mul3A_5 = arith.constant 80 : i32
    %mul3A_6 = arith.muli %add3A, %mul3A_5 : i32
    %sub3A = arith.constant 2500 : i32
    %sub3A_7 = arith.subi %sub3A, %mul3A_6 : i32
    %jit3A = arith.constant 0 : i32
    %jit3A_8 = arith.constant 80 : i32
    %max3A = arith.maxsi %jit3A, %sub3A_7 : i32
    %min3A = arith.minsi %jit3A_8, %max3A : i32
    %jit3A_9 = arith.constant 2 : i32
    %div3A = arith.divsi %min3A, %jit3A_9 : i32
    %sign3A = arith.constant 0 : i32
    %sign3A_10 = arith.cmpi sgt, %min3A, %sign3A : i32
    %sign3A_11 = arith.extui %sign3A_10 : i1 to i32
    %sign3A_12 = arith.constant 0 : i32
    %sign3A_13 = arith.cmpi slt, %min3A, %sign3A_12 : i32
    %sign3A_14 = arith.extui %sign3A_13 : i1 to i32
    %sign3A_15 = arith.subi %sign3A_11, %sign3A_14 : i32
    %sign3A_16 = arith.constant 0 : i32
    %sign3A_17 = arith.cmpi sgt, %jit3A_9, %sign3A_16 : i32
    %sign3A_18 = arith.extui %sign3A_17 : i1 to i32
    %sign3A_19 = arith.constant 0 : i32
    %sign3A_20 = arith.cmpi slt, %jit3A_9, %sign3A_19 : i32
    %sign3A_21 = arith.extui %sign3A_20 : i1 to i32
    %sign3A_22 = arith.subi %sign3A_18, %sign3A_21 : i32
    %ne3A = arith.cmpi ne, %sign3A_15, %sign3A_22 : i32
    %rem3A = arith.remsi %min3A, %jit3A_9 : i32
    %ne3A_23 = arith.constant 0 : i32
    %ne3A_24 = arith.cmpi ne, %rem3A, %ne3A_23 : i32
    %and3A = arith.andi %ne3A, %ne3A_24 : i1
    %sub3A_25 = arith.constant 1 : i32
    %sub3A_26 = arith.subi %div3A, %sub3A_25 : i32
    %select_n3A = arith.select %and3A, %sub3A_26, %div3A : i32
    %mul3A_27 = arith.constant 128 : i32
    %mul3A_28 = arith.muli %mul3A_6, %mul3A_27 : i32
    "tpu.region"() ({
      %run_scoped3A = tpu.sem_alloc : memref<!tpu.dma_semaphore, #tpu.memory_space<semaphore_mem>>
      %dma_start3A_55 = arith.constant 0 : i32
      %dma_start3A_56 = tpu.memref_slice %arg3[%mul3A_6, %dma_start3A_55] : memref<2560x128xi32, #tpu.memory_space<hbm>> -> memref<80x128xi32, #tpu.memory_space<hbm>>
      %dma_start3A_57 = arith.constant 0 : i32
      %dma_start3A_58 = tpu.memref_slice %arg3[%mul3A_6, %dma_start3A_57] : memref<2560x128xi32, #tpu.memory_space<hbm>> -> memref<80x128xi32, #tpu.memory_space<hbm>>
      tpu.enqueue_dma source(%dma_start3A_58 : memref<80x128xi32, #tpu.memory_space<hbm>>) target(%arg6 : memref<80x128xi32, #tpu.memory_space<vmem>>) target_semaphore(%run_scoped3A : memref<!tpu.dma_semaphore, #tpu.memory_space<semaphore_mem>>)
      %dma_wait3A = arith.constant 0 : i32
      %dma_wait3A_59 = tpu.memref_slice %arg3[%mul3A_6, %dma_wait3A] : memref<2560x128xi32, #tpu.memory_space<hbm>> -> memref<80x128xi32, #tpu.memory_space<hbm>>
      %dma_wait3A_60 = arith.constant 0 : i32
      %dma_wait3A_61 = tpu.memref_slice %arg3[%mul3A_6, %dma_wait3A_60] : memref<2560x128xi32, #tpu.memory_space<hbm>> -> memref<80x128xi32, #tpu.memory_space<hbm>>
      tpu.wait_dma2 semaphore(%run_scoped3A : memref<!tpu.dma_semaphore, #tpu.memory_space<semaphore_mem>>) src(%dma_wait3A_61 : memref<80x128xi32, #tpu.memory_space<hbm>>) dst(%arg6 : memref<80x128xi32, #tpu.memory_space<vmem>>)
      tpu.yield
    }) : () -> ()
    %add3A_29 = arith.constant 0 : i32
    %add3A_30 = arith.addi %mul3A_28, %add3A_29 : i32
    %dma_start3A = arith.constant 0 : i32
    %dma_start3A_31 = tpu.memref_slice %arg2[%add3A_30, %dma_start3A] : memref<320000x128xf32, #tpu.memory_space<hbm>> -> memref<128x128xf32, #tpu.memory_space<hbm>>
    %dma_start3A_32 = arith.constant 0 : i32
    %dma_start3A_33 = tpu.memref_slice %arg2[%add3A_30, %dma_start3A_32] : memref<320000x128xf32, #tpu.memory_space<hbm>> -> memref<128x128xf32, #tpu.memory_space<hbm>>
    tpu.enqueue_dma source(%dma_start3A_33 : memref<128x128xf32, #tpu.memory_space<hbm>>) target(%arg7 : memref<128x128xf32, #tpu.memory_space<vmem>>) target_semaphore(%arg10 : memref<!tpu.dma_semaphore, #tpu.memory_space<semaphore_mem>>)
    %add3A_34 = arith.constant 128 : i32
    %add3A_35 = arith.addi %mul3A_28, %add3A_34 : i32
    %dma_start3A_36 = arith.constant 0 : i32
    %dma_start3A_37 = tpu.memref_slice %arg2[%add3A_35, %dma_start3A_36] : memref<320000x128xf32, #tpu.memory_space<hbm>> -> memref<128x128xf32, #tpu.memory_space<hbm>>
    %dma_start3A_38 = arith.constant 0 : i32
    %dma_start3A_39 = tpu.memref_slice %arg2[%add3A_35, %dma_start3A_38] : memref<320000x128xf32, #tpu.memory_space<hbm>> -> memref<128x128xf32, #tpu.memory_space<hbm>>
    tpu.enqueue_dma source(%dma_start3A_39 : memref<128x128xf32, #tpu.memory_space<hbm>>) target(%arg8 : memref<128x128xf32, #tpu.memory_space<vmem>>) target_semaphore(%arg11 : memref<!tpu.dma_semaphore, #tpu.memory_space<semaphore_mem>>)
    %while3A = arith.constant 0 : i32
    %while3A_40 = arith.constant 0 : i32
    %while3A_41 = arith.subi %select_n3A, %while3A_40 : i32
    %while3A_42 = arith.addi %while3A_40, %while3A_41 : i32
    %while3A_43 = arith.constant 1 : i32
    %while3A_44 = arith.divsi %while3A_41, %while3A_43 : i32
    %while3A_45 = arith.muli %while3A_44, %while3A_43 : i32
    %while3A_46 = arith.addi %while3A_40, %while3A_45 : i32
    %while3A_47 = arith.constant 1 : i32
    scf.for %while3A_55 = %while3A_40 to %while3A_46 step %while3A_47  : i32 {
      %mul3A_56 = arith.constant 2 : i32
      %mul3A_57 = arith.muli %mul3A_56, %while3A_55 : i32
      %dma_wait3A = arith.constant 0 : i32
      %dma_wait3A_58 = arith.constant 0 : i32
      %dma_wait3A_59 = tpu.memref_slice %arg2[%dma_wait3A, %dma_wait3A_58] : memref<320000x128xf32, #tpu.memory_space<hbm>> -> memref<128x128xf32, #tpu.memory_space<hbm>>
      %dma_wait3A_60 = arith.constant 0 : i32
      %dma_wait3A_61 = arith.constant 0 : i32
      %dma_wait3A_62 = tpu.memref_slice %arg2[%dma_wait3A_60, %dma_wait3A_61] : memref<320000x128xf32, #tpu.memory_space<hbm>> -> memref<128x128xf32, #tpu.memory_space<hbm>>
      tpu.wait_dma2 semaphore(%arg10 : memref<!tpu.dma_semaphore, #tpu.memory_space<semaphore_mem>>) src(%dma_wait3A_62 : memref<128x128xf32, #tpu.memory_space<hbm>>) dst(%arg7 : memref<128x128xf32, #tpu.memory_space<vmem>>)
      "tpu.region"() ({
        %run_scoped3A = tpu.sem_alloc : memref<!tpu.dma_semaphore, #tpu.memory_space<semaphore_mem>>
        %dma_start3A_84 = arith.constant 0 : i32
        %dma_start3A_85 = tpu.memref_slice %arg6[%mul3A_57, %dma_start3A_84] : memref<80x128xi32, #tpu.memory_space<vmem>> -> memref<1x128xi32, #tpu.memory_space<vmem>>
        %dma_start3A_86 = tpu.memref_squeeze %dma_start3A_85 : memref<1x128xi32, #tpu.memory_space<vmem>> -> memref<128xi32, #tpu.memory_space<vmem>>
        %dma_start3A_87 = arith.constant 0 : i32
        %dma_start3A_88 = arith.constant 0 : i32
        %dma_start3A_89 = tpu.memref_slice %arg9[%dma_start3A_87, %dma_start3A_88] : memref<10000x128xf32, #tpu.memory_space<vmem_shared>> -> memref<10000x128xf32, #tpu.memory_space<vmem_shared>>
        tpu.enqueue_indirect_dma source(%arg7 : memref<128x128xf32, #tpu.memory_space<vmem>>) target(%dma_start3A_89 : memref<10000x128xf32, #tpu.memory_space<vmem_shared>>) offsets(%dma_start3A_86 : memref<128xi32, #tpu.memory_space<vmem>>) semaphore(%run_scoped3A : memref<!tpu.dma_semaphore, #tpu.memory_space<semaphore_mem>>) {add = true}
        %dma_wait3A_90 = arith.constant 0 : i32
        %dma_wait3A_91 = tpu.memref_slice %arg6[%mul3A_57, %dma_wait3A_90] : memref<80x128xi32, #tpu.memory_space<vmem>> -> memref<1x128xi32, #tpu.memory_space<vmem>>
        %dma_wait3A_92 = tpu.memref_squeeze %dma_wait3A_91 : memref<1x128xi32, #tpu.memory_space<vmem>> -> memref<128xi32, #tpu.memory_space<vmem>>
        %dma_wait3A_93 = arith.constant 0 : i32
        %dma_wait3A_94 = arith.constant 0 : i32
        %dma_wait3A_95 = tpu.memref_slice %arg9[%dma_wait3A_93, %dma_wait3A_94] : memref<10000x128xf32, #tpu.memory_space<vmem_shared>> -> memref<10000x128xf32, #tpu.memory_space<vmem_shared>>
        tpu.wait_indirect_dma semaphore(%run_scoped3A : memref<!tpu.dma_semaphore, #tpu.memory_space<semaphore_mem>>) src(%arg7 : memref<128x128xf32, #tpu.memory_space<vmem>>) dst(%dma_wait3A_95 : memref<10000x128xf32, #tpu.memory_space<vmem_shared>>)
        tpu.yield
      }) : () -> ()
      %add3A_63 = arith.constant 2 : i32
      %add3A_64 = arith.addi %mul3A_57, %add3A_63 : i32
      %lt3A = arith.cmpi slt, %add3A_64, %min3A : i32
      %convert_element_type3A_65 = arith.extui %lt3A : i1 to i32
      %cond3A_66 = arith.constant 0 : i32
      %cond3A_67 = arith.cmpi ne, %convert_element_type3A_65, %cond3A_66 : i32
      scf.if %cond3A_67 {
        %add3A_84 = arith.constant 2 : i32
        %add3A_85 = arith.addi %mul3A_57, %add3A_84 : i32
        %mul3A_86 = arith.constant 128 : i32
        %mul3A_87 = arith.muli %add3A_85, %mul3A_86 : i32
        %add3A_88 = arith.addi %mul3A_28, %mul3A_87 : i32
        %dma_start3A_89 = arith.constant 0 : i32
        %dma_start3A_90 = tpu.memref_slice %arg2[%add3A_88, %dma_start3A_89] : memref<320000x128xf32, #tpu.memory_space<hbm>> -> memref<128x128xf32, #tpu.memory_space<hbm>>
        %dma_start3A_91 = arith.constant 0 : i32
        %dma_start3A_92 = tpu.memref_slice %arg2[%add3A_88, %dma_start3A_91] : memref<320000x128xf32, #tpu.memory_space<hbm>> -> memref<128x128xf32, #tpu.memory_space<hbm>>
        tpu.enqueue_dma source(%dma_start3A_92 : memref<128x128xf32, #tpu.memory_space<hbm>>) target(%arg7 : memref<128x128xf32, #tpu.memory_space<vmem>>) target_semaphore(%arg10 : memref<!tpu.dma_semaphore, #tpu.memory_space<semaphore_mem>>)
      } else {
      }
      %mul3A_68 = arith.constant 2 : i32
      %mul3A_69 = arith.muli %mul3A_68, %while3A_55 : i32
      %add3A_70 = arith.constant 1 : i32
      %add3A_71 = arith.addi %mul3A_69, %add3A_70 : i32
      %dma_wait3A_72 = arith.constant 0 : i32
      %dma_wait3A_73 = arith.constant 0 : i32
      %dma_wait3A_74 = tpu.memref_slice %arg2[%dma_wait3A_72, %dma_wait3A_73] : memref<320000x128xf32, #tpu.memory_space<hbm>> -> memref<128x128xf32, #tpu.memory_space<hbm>>
      %dma_wait3A_75 = arith.constant 0 : i32
      %dma_wait3A_76 = arith.constant 0 : i32
      %dma_wait3A_77 = tpu.memref_slice %arg2[%dma_wait3A_75, %dma_wait3A_76] : memref<320000x128xf32, #tpu.memory_space<hbm>> -> memref<128x128xf32, #tpu.memory_space<hbm>>
      tpu.wait_dma2 semaphore(%arg11 : memref<!tpu.dma_semaphore, #tpu.memory_space<semaphore_mem>>) src(%dma_wait3A_77 : memref<128x128xf32, #tpu.memory_space<hbm>>) dst(%arg8 : memref<128x128xf32, #tpu.memory_space<vmem>>)
      "tpu.region"() ({
        %run_scoped3A = tpu.sem_alloc : memref<!tpu.dma_semaphore, #tpu.memory_space<semaphore_mem>>
        %dma_start3A_84 = arith.constant 0 : i32
        %dma_start3A_85 = tpu.memref_slice %arg6[%add3A_71, %dma_start3A_84] : memref<80x128xi32, #tpu.memory_space<vmem>> -> memref<1x128xi32, #tpu.memory_space<vmem>>
        %dma_start3A_86 = tpu.memref_squeeze %dma_start3A_85 : memref<1x128xi32, #tpu.memory_space<vmem>> -> memref<128xi32, #tpu.memory_space<vmem>>
        %dma_start3A_87 = arith.constant 0 : i32
        %dma_start3A_88 = arith.constant 0 : i32
        %dma_start3A_89 = tpu.memref_slice %arg9[%dma_start3A_87, %dma_start3A_88] : memref<10000x128xf32, #tpu.memory_space<vmem_shared>> -> memref<10000x128xf32, #tpu.memory_space<vmem_shared>>
        tpu.enqueue_indirect_dma source(%arg8 : memref<128x128xf32, #tpu.memory_space<vmem>>) target(%dma_start3A_89 : memref<10000x128xf32, #tpu.memory_space<vmem_shared>>) offsets(%dma_start3A_86 : memref<128xi32, #tpu.memory_space<vmem>>) semaphore(%run_scoped3A : memref<!tpu.dma_semaphore, #tpu.memory_space<semaphore_mem>>) {add = true}
        %dma_wait3A_90 = arith.constant 0 : i32
        %dma_wait3A_91 = tpu.memref_slice %arg6[%add3A_71, %dma_wait3A_90] : memref<80x128xi32, #tpu.memory_space<vmem>> -> memref<1x128xi32, #tpu.memory_space<vmem>>
        %dma_wait3A_92 = tpu.memref_squeeze %dma_wait3A_91 : memref<1x128xi32, #tpu.memory_space<vmem>> -> memref<128xi32, #tpu.memory_space<vmem>>
        %dma_wait3A_93 = arith.constant 0 : i32
        %dma_wait3A_94 = arith.constant 0 : i32
        %dma_wait3A_95 = tpu.memref_slice %arg9[%dma_wait3A_93, %dma_wait3A_94] : memref<10000x128xf32, #tpu.memory_space<vmem_shared>> -> memref<10000x128xf32, #tpu.memory_space<vmem_shared>>
        tpu.wait_indirect_dma semaphore(%run_scoped3A : memref<!tpu.dma_semaphore, #tpu.memory_space<semaphore_mem>>) src(%arg8 : memref<128x128xf32, #tpu.memory_space<vmem>>) dst(%dma_wait3A_95 : memref<10000x128xf32, #tpu.memory_space<vmem_shared>>)
        tpu.yield
      }) : () -> ()
      %add3A_78 = arith.constant 2 : i32
      %add3A_79 = arith.addi %add3A_71, %add3A_78 : i32
      %lt3A_80 = arith.cmpi slt, %add3A_79, %min3A : i32
      %convert_element_type3A_81 = arith.extui %lt3A_80 : i1 to i32
      %cond3A_82 = arith.constant 0 : i32
      %cond3A_83 = arith.cmpi ne, %convert_element_type3A_81, %cond3A_82 : i32
      scf.if %cond3A_83 {
        %add3A_84 = arith.constant 2 : i32
        %add3A_85 = arith.addi %add3A_71, %add3A_84 : i32
        %mul3A_86 = arith.constant 128 : i32
        %mul3A_87 = arith.muli %add3A_85, %mul3A_86 : i32
        %add3A_88 = arith.addi %mul3A_28, %mul3A_87 : i32
        %dma_start3A_89 = arith.constant 0 : i32
        %dma_start3A_90 = tpu.memref_slice %arg2[%add3A_88, %dma_start3A_89] : memref<320000x128xf32, #tpu.memory_space<hbm>> -> memref<128x128xf32, #tpu.memory_space<hbm>>
        %dma_start3A_91 = arith.constant 0 : i32
        %dma_start3A_92 = tpu.memref_slice %arg2[%add3A_88, %dma_start3A_91] : memref<320000x128xf32, #tpu.memory_space<hbm>> -> memref<128x128xf32, #tpu.memory_space<hbm>>
        tpu.enqueue_dma source(%dma_start3A_92 : memref<128x128xf32, #tpu.memory_space<hbm>>) target(%arg8 : memref<128x128xf32, #tpu.memory_space<vmem>>) target_semaphore(%arg11 : memref<!tpu.dma_semaphore, #tpu.memory_space<semaphore_mem>>)
      } else {
      }
    }
    %while3A_48 = arith.constant 1 : i32
    scf.for %while3A_55 = %while3A_46 to %while3A_42 step %while3A_48  : i32 {
      %mul3A_56 = arith.constant 2 : i32
      %mul3A_57 = arith.muli %mul3A_56, %while3A_55 : i32
      %dma_wait3A = arith.constant 0 : i32
      %dma_wait3A_58 = arith.constant 0 : i32
      %dma_wait3A_59 = tpu.memref_slice %arg2[%dma_wait3A, %dma_wait3A_58] : memref<320000x128xf32, #tpu.memory_space<hbm>> -> memref<128x128xf32, #tpu.memory_space<hbm>>
      %dma_wait3A_60 = arith.constant 0 : i32
      %dma_wait3A_61 = arith.constant 0 : i32
      %dma_wait3A_62 = tpu.memref_slice %arg2[%dma_wait3A_60, %dma_wait3A_61] : memref<320000x128xf32, #tpu.memory_space<hbm>> -> memref<128x128xf32, #tpu.memory_space<hbm>>
      tpu.wait_dma2 semaphore(%arg10 : memref<!tpu.dma_semaphore, #tpu.memory_space<semaphore_mem>>) src(%dma_wait3A_62 : memref<128x128xf32, #tpu.memory_space<hbm>>) dst(%arg7 : memref<128x128xf32, #tpu.memory_space<vmem>>)
      "tpu.region"() ({
        %run_scoped3A = tpu.sem_alloc : memref<!tpu.dma_semaphore, #tpu.memory_space<semaphore_mem>>
        %dma_start3A_84 = arith.constant 0 : i32
        %dma_start3A_85 = tpu.memref_slice %arg6[%mul3A_57, %dma_start3A_84] : memref<80x128xi32, #tpu.memory_space<vmem>> -> memref<1x128xi32, #tpu.memory_space<vmem>>
        %dma_start3A_86 = tpu.memref_squeeze %dma_start3A_85 : memref<1x128xi32, #tpu.memory_space<vmem>> -> memref<128xi32, #tpu.memory_space<vmem>>
        %dma_start3A_87 = arith.constant 0 : i32
        %dma_start3A_88 = arith.constant 0 : i32
        %dma_start3A_89 = tpu.memref_slice %arg9[%dma_start3A_87, %dma_start3A_88] : memref<10000x128xf32, #tpu.memory_space<vmem_shared>> -> memref<10000x128xf32, #tpu.memory_space<vmem_shared>>
        tpu.enqueue_indirect_dma source(%arg7 : memref<128x128xf32, #tpu.memory_space<vmem>>) target(%dma_start3A_89 : memref<10000x128xf32, #tpu.memory_space<vmem_shared>>) offsets(%dma_start3A_86 : memref<128xi32, #tpu.memory_space<vmem>>) semaphore(%run_scoped3A : memref<!tpu.dma_semaphore, #tpu.memory_space<semaphore_mem>>) {add = true}
        %dma_wait3A_90 = arith.constant 0 : i32
        %dma_wait3A_91 = tpu.memref_slice %arg6[%mul3A_57, %dma_wait3A_90] : memref<80x128xi32, #tpu.memory_space<vmem>> -> memref<1x128xi32, #tpu.memory_space<vmem>>
        %dma_wait3A_92 = tpu.memref_squeeze %dma_wait3A_91 : memref<1x128xi32, #tpu.memory_space<vmem>> -> memref<128xi32, #tpu.memory_space<vmem>>
        %dma_wait3A_93 = arith.constant 0 : i32
        %dma_wait3A_94 = arith.constant 0 : i32
        %dma_wait3A_95 = tpu.memref_slice %arg9[%dma_wait3A_93, %dma_wait3A_94] : memref<10000x128xf32, #tpu.memory_space<vmem_shared>> -> memref<10000x128xf32, #tpu.memory_space<vmem_shared>>
        tpu.wait_indirect_dma semaphore(%run_scoped3A : memref<!tpu.dma_semaphore, #tpu.memory_space<semaphore_mem>>) src(%arg7 : memref<128x128xf32, #tpu.memory_space<vmem>>) dst(%dma_wait3A_95 : memref<10000x128xf32, #tpu.memory_space<vmem_shared>>)
        tpu.yield
      }) : () -> ()
      %add3A_63 = arith.constant 2 : i32
      %add3A_64 = arith.addi %mul3A_57, %add3A_63 : i32
      %lt3A = arith.cmpi slt, %add3A_64, %min3A : i32
      %convert_element_type3A_65 = arith.extui %lt3A : i1 to i32
      %cond3A_66 = arith.constant 0 : i32
      %cond3A_67 = arith.cmpi ne, %convert_element_type3A_65, %cond3A_66 : i32
      scf.if %cond3A_67 {
        %add3A_84 = arith.constant 2 : i32
        %add3A_85 = arith.addi %mul3A_57, %add3A_84 : i32
        %mul3A_86 = arith.constant 128 : i32
        %mul3A_87 = arith.muli %add3A_85, %mul3A_86 : i32
        %add3A_88 = arith.addi %mul3A_28, %mul3A_87 : i32
        %dma_start3A_89 = arith.constant 0 : i32
        %dma_start3A_90 = tpu.memref_slice %arg2[%add3A_88, %dma_start3A_89] : memref<320000x128xf32, #tpu.memory_space<hbm>> -> memref<128x128xf32, #tpu.memory_space<hbm>>
        %dma_start3A_91 = arith.constant 0 : i32
        %dma_start3A_92 = tpu.memref_slice %arg2[%add3A_88, %dma_start3A_91] : memref<320000x128xf32, #tpu.memory_space<hbm>> -> memref<128x128xf32, #tpu.memory_space<hbm>>
        tpu.enqueue_dma source(%dma_start3A_92 : memref<128x128xf32, #tpu.memory_space<hbm>>) target(%arg7 : memref<128x128xf32, #tpu.memory_space<vmem>>) target_semaphore(%arg10 : memref<!tpu.dma_semaphore, #tpu.memory_space<semaphore_mem>>)
      } else {
      }
      %mul3A_68 = arith.constant 2 : i32
      %mul3A_69 = arith.muli %mul3A_68, %while3A_55 : i32
      %add3A_70 = arith.constant 1 : i32
      %add3A_71 = arith.addi %mul3A_69, %add3A_70 : i32
      %dma_wait3A_72 = arith.constant 0 : i32
      %dma_wait3A_73 = arith.constant 0 : i32
      %dma_wait3A_74 = tpu.memref_slice %arg2[%dma_wait3A_72, %dma_wait3A_73] : memref<320000x128xf32, #tpu.memory_space<hbm>> -> memref<128x128xf32, #tpu.memory_space<hbm>>
      %dma_wait3A_75 = arith.constant 0 : i32
      %dma_wait3A_76 = arith.constant 0 : i32
      %dma_wait3A_77 = tpu.memref_slice %arg2[%dma_wait3A_75, %dma_wait3A_76] : memref<320000x128xf32, #tpu.memory_space<hbm>> -> memref<128x128xf32, #tpu.memory_space<hbm>>
      tpu.wait_dma2 semaphore(%arg11 : memref<!tpu.dma_semaphore, #tpu.memory_space<semaphore_mem>>) src(%dma_wait3A_77 : memref<128x128xf32, #tpu.memory_space<hbm>>) dst(%arg8 : memref<128x128xf32, #tpu.memory_space<vmem>>)
      "tpu.region"() ({
        %run_scoped3A = tpu.sem_alloc : memref<!tpu.dma_semaphore, #tpu.memory_space<semaphore_mem>>
        %dma_start3A_84 = arith.constant 0 : i32
        %dma_start3A_85 = tpu.memref_slice %arg6[%add3A_71, %dma_start3A_84] : memref<80x128xi32, #tpu.memory_space<vmem>> -> memref<1x128xi32, #tpu.memory_space<vmem>>
        %dma_start3A_86 = tpu.memref_squeeze %dma_start3A_85 : memref<1x128xi32, #tpu.memory_space<vmem>> -> memref<128xi32, #tpu.memory_space<vmem>>
        %dma_start3A_87 = arith.constant 0 : i32
        %dma_start3A_88 = arith.constant 0 : i32
        %dma_start3A_89 = tpu.memref_slice %arg9[%dma_start3A_87, %dma_start3A_88] : memref<10000x128xf32, #tpu.memory_space<vmem_shared>> -> memref<10000x128xf32, #tpu.memory_space<vmem_shared>>
        tpu.enqueue_indirect_dma source(%arg8 : memref<128x128xf32, #tpu.memory_space<vmem>>) target(%dma_start3A_89 : memref<10000x128xf32, #tpu.memory_space<vmem_shared>>) offsets(%dma_start3A_86 : memref<128xi32, #tpu.memory_space<vmem>>) semaphore(%run_scoped3A : memref<!tpu.dma_semaphore, #tpu.memory_space<semaphore_mem>>) {add = true}
        %dma_wait3A_90 = arith.constant 0 : i32
        %dma_wait3A_91 = tpu.memref_slice %arg6[%add3A_71, %dma_wait3A_90] : memref<80x128xi32, #tpu.memory_space<vmem>> -> memref<1x128xi32, #tpu.memory_space<vmem>>
        %dma_wait3A_92 = tpu.memref_squeeze %dma_wait3A_91 : memref<1x128xi32, #tpu.memory_space<vmem>> -> memref<128xi32, #tpu.memory_space<vmem>>
        %dma_wait3A_93 = arith.constant 0 : i32
        %dma_wait3A_94 = arith.constant 0 : i32
        %dma_wait3A_95 = tpu.memref_slice %arg9[%dma_wait3A_93, %dma_wait3A_94] : memref<10000x128xf32, #tpu.memory_space<vmem_shared>> -> memref<10000x128xf32, #tpu.memory_space<vmem_shared>>
        tpu.wait_indirect_dma semaphore(%run_scoped3A : memref<!tpu.dma_semaphore, #tpu.memory_space<semaphore_mem>>) src(%arg8 : memref<128x128xf32, #tpu.memory_space<vmem>>) dst(%dma_wait3A_95 : memref<10000x128xf32, #tpu.memory_space<vmem_shared>>)
        tpu.yield
      }) : () -> ()
      %add3A_78 = arith.constant 2 : i32
      %add3A_79 = arith.addi %add3A_71, %add3A_78 : i32
      %lt3A_80 = arith.cmpi slt, %add3A_79, %min3A : i32
      %convert_element_type3A_81 = arith.extui %lt3A_80 : i1 to i32
      %cond3A_82 = arith.constant 0 : i32
      %cond3A_83 = arith.cmpi ne, %convert_element_type3A_81, %cond3A_82 : i32
      scf.if %cond3A_83 {
        %add3A_84 = arith.constant 2 : i32
        %add3A_85 = arith.addi %add3A_71, %add3A_84 : i32
        %mul3A_86 = arith.constant 128 : i32
        %mul3A_87 = arith.muli %add3A_85, %mul3A_86 : i32
        %add3A_88 = arith.addi %mul3A_28, %mul3A_87 : i32
        %dma_start3A_89 = arith.constant 0 : i32
        %dma_start3A_90 = tpu.memref_slice %arg2[%add3A_88, %dma_start3A_89] : memref<320000x128xf32, #tpu.memory_space<hbm>> -> memref<128x128xf32, #tpu.memory_space<hbm>>
        %dma_start3A_91 = arith.constant 0 : i32
        %dma_start3A_92 = tpu.memref_slice %arg2[%add3A_88, %dma_start3A_91] : memref<320000x128xf32, #tpu.memory_space<hbm>> -> memref<128x128xf32, #tpu.memory_space<hbm>>
        tpu.enqueue_dma source(%dma_start3A_92 : memref<128x128xf32, #tpu.memory_space<hbm>>) target(%arg8 : memref<128x128xf32, #tpu.memory_space<vmem>>) target_semaphore(%arg11 : memref<!tpu.dma_semaphore, #tpu.memory_space<semaphore_mem>>)
      } else {
      }
    }
    %barrier3A_49 = arith.constant 0 : index
    tpu.barrier barrier_id(%barrier3A_49)
    "tpu.region"() ({
      %run_scoped3A = tpu.sem_alloc : memref<!tpu.dma_semaphore, #tpu.memory_space<semaphore_mem>>
      %dma_start3A_55 = arith.constant 0 : i32
      %dma_start3A_56 = tpu.memref_slice %arg5[%arg0, %mul3A_2, %dma_start3A_55] : memref<2x10000x128xf32, #tpu.memory_space<hbm>> -> memref<1x624x128xf32, #tpu.memory_space<hbm>>
      %dma_start3A_57 = tpu.memref_squeeze %dma_start3A_56 : memref<1x624x128xf32, #tpu.memory_space<hbm>> -> memref<624x128xf32, #tpu.memory_space<hbm>>
      %dma_start3A_58 = arith.constant 0 : i32
      %dma_start3A_59 = tpu.memref_slice %arg9[%mul3A_2, %dma_start3A_58] : memref<10000x128xf32, #tpu.memory_space<vmem_shared>> -> memref<624x128xf32, #tpu.memory_space<vmem_shared>>
      tpu.enqueue_dma source(%dma_start3A_59 : memref<624x128xf32, #tpu.memory_space<vmem_shared>>) target(%dma_start3A_57 : memref<624x128xf32, #tpu.memory_space<hbm>>) target_semaphore(%run_scoped3A : memref<!tpu.dma_semaphore, #tpu.memory_space<semaphore_mem>>)
      %dma_wait3A = arith.constant 0 : i32
      %dma_wait3A_60 = tpu.memref_slice %arg5[%arg0, %mul3A_2, %dma_wait3A] : memref<2x10000x128xf32, #tpu.memory_space<hbm>> -> memref<1x624x128xf32, #tpu.memory_space<hbm>>
      %dma_wait3A_61 = tpu.memref_squeeze %dma_wait3A_60 : memref<1x624x128xf32, #tpu.memory_space<hbm>> -> memref<624x128xf32, #tpu.memory_space<hbm>>
      %dma_wait3A_62 = arith.constant 0 : i32
      %dma_wait3A_63 = tpu.memref_slice %arg9[%mul3A_2, %dma_wait3A_62] : memref<10000x128xf32, #tpu.memory_space<vmem_shared>> -> memref<624x128xf32, #tpu.memory_space<vmem_shared>>
      tpu.wait_dma2 semaphore(%run_scoped3A : memref<!tpu.dma_semaphore, #tpu.memory_space<semaphore_mem>>) src(%dma_wait3A_63 : memref<624x128xf32, #tpu.memory_space<vmem_shared>>) dst(%dma_wait3A_61 : memref<624x128xf32, #tpu.memory_space<hbm>>)
      tpu.yield
    }) : () -> ()
    %eq3A_50 = arith.constant 15 : i32
    %eq3A_51 = arith.cmpi eq, %arg1, %eq3A_50 : i32
    %convert_element_type3A_52 = arith.extui %eq3A_51 : i1 to i32
    %cond3A_53 = arith.constant 0 : i32
    %cond3A_54 = arith.cmpi ne, %convert_element_type3A_52, %cond3A_53 : i32
    scf.if %cond3A_54 {
      "tpu.region"() ({
        %run_scoped3A = tpu.sem_alloc : memref<!tpu.dma_semaphore, #tpu.memory_space<semaphore_mem>>
        %dma_start3A_55 = arith.constant 9984 : i32
        %dma_start3A_56 = arith.constant 0 : i32
        %dma_start3A_57 = tpu.memref_slice %arg5[%arg0, %dma_start3A_55, %dma_start3A_56] : memref<2x10000x128xf32, #tpu.memory_space<hbm>> -> memref<1x16x128xf32, #tpu.memory_space<hbm>>
        %dma_start3A_58 = tpu.memref_squeeze %dma_start3A_57 : memref<1x16x128xf32, #tpu.memory_space<hbm>> -> memref<16x128xf32, #tpu.memory_space<hbm>>
        %dma_start3A_59 = arith.constant 9984 : i32
        %dma_start3A_60 = arith.constant 0 : i32
        %dma_start3A_61 = tpu.memref_slice %arg9[%dma_start3A_59, %dma_start3A_60] : memref<10000x128xf32, #tpu.memory_space<vmem_shared>> -> memref<16x128xf32, #tpu.memory_space<vmem_shared>>
        tpu.enqueue_dma source(%dma_start3A_61 : memref<16x128xf32, #tpu.memory_space<vmem_shared>>) target(%dma_start3A_58 : memref<16x128xf32, #tpu.memory_space<hbm>>) target_semaphore(%run_scoped3A : memref<!tpu.dma_semaphore, #tpu.memory_space<semaphore_mem>>)
        %dma_wait3A = arith.constant 9984 : i32
        %dma_wait3A_62 = arith.constant 0 : i32
        %dma_wait3A_63 = tpu.memref_slice %arg5[%arg0, %dma_wait3A, %dma_wait3A_62] : memref<2x10000x128xf32, #tpu.memory_space<hbm>> -> memref<1x16x128xf32, #tpu.memory_space<hbm>>
        %dma_wait3A_64 = tpu.memref_squeeze %dma_wait3A_63 : memref<1x16x128xf32, #tpu.memory_space<hbm>> -> memref<16x128xf32, #tpu.memory_space<hbm>>
        %dma_wait3A_65 = arith.constant 9984 : i32
        %dma_wait3A_66 = arith.constant 0 : i32
        %dma_wait3A_67 = tpu.memref_slice %arg9[%dma_wait3A_65, %dma_wait3A_66] : memref<10000x128xf32, #tpu.memory_space<vmem_shared>> -> memref<16x128xf32, #tpu.memory_space<vmem_shared>>
        tpu.wait_dma2 semaphore(%run_scoped3A : memref<!tpu.dma_semaphore, #tpu.memory_space<semaphore_mem>>) src(%dma_wait3A_67 : memref<16x128xf32, #tpu.memory_space<vmem_shared>>) dst(%dma_wait3A_64 : memref<16x128xf32, #tpu.memory_space<hbm>>)
        tpu.yield
      }) : () -> ()
    } else {
    }
    return
  }
}

module attributes {stable_mosaic.version = 14 : i64} {
  func.func @body(%arg0: memref<10000x128xf32, #tpu.memory_space<vmem>>, %arg1: memref<2x10000x128xf32, #tpu.memory_space<vmem>>, %arg2: memref<128x128xf32, #tpu.memory_space<vmem>>, %arg3: memref<128x128xf32, #tpu.memory_space<vmem>>, %arg4: memref<1x128xf32, #tpu.memory_space<vmem>>, %arg5: memref<128x128xf32, #tpu.memory_space<vmem>>, %arg6: memref<1x128xf32, #tpu.memory_space<vmem>>, %arg7: memref<10000x128xf32, #tpu.memory_space<vmem>>) attributes {dimension_semantics = [], scalar_prefetch = 0 : i64, scratch_operands = 0 : i64, tpu.core_type = #tpu.core_type<tc>} {
    %get3A = arith.constant 0 : index
    %get3A_0 = arith.constant 0 : index
    %get3A_1 = arith.constant 0 : index
    %get3A_2 = vector.load %arg1[%get3A, %get3A_0, %get3A_1] : memref<2x10000x128xf32, #tpu.memory_space<vmem>>, vector<1x10000x128xf32>
    %get3A_3 = vector.shape_cast %get3A_2 : vector<1x10000x128xf32> to vector<10000x128xf32>
    %get3A_4 = arith.constant 1 : index
    %get3A_5 = arith.constant 0 : index
    %get3A_6 = arith.constant 0 : index
    %get3A_7 = vector.load %arg1[%get3A_4, %get3A_5, %get3A_6] : memref<2x10000x128xf32, #tpu.memory_space<vmem>>, vector<1x10000x128xf32>
    %get3A_8 = vector.shape_cast %get3A_7 : vector<1x10000x128xf32> to vector<10000x128xf32>
    %add3A = arith.addf %get3A_3, %get3A_8 : vector<10000x128xf32>
    %reduce_sum3A = arith.constant dense<0.000000e+00> : vector<128xf32>
    %reduce_sum3A_9 = vector.multi_reduction <add>, %add3A, %reduce_sum3A [0] : vector<10000x128xf32> to vector<128xf32>
    %broadcast_in_dim3A = vector.shape_cast %reduce_sum3A_9 : vector<128xf32> to vector<1x128xf32>
    %mul3A = arith.constant 9.99999974E-5 : f32
    %mul3A_10 = vector.broadcast %mul3A : f32 to vector<1x128xf32>
    %mul3A_11 = arith.mulf %broadcast_in_dim3A, %mul3A_10 : vector<1x128xf32>
    %sub3A = vector.broadcast %mul3A_11 : vector<1x128xf32> to vector<10000x128xf32>
    %sub3A_12 = arith.subf %add3A, %sub3A : vector<10000x128xf32>
    %get3A_13 = arith.constant 0 : index
    %get3A_14 = arith.constant 0 : index
    %get3A_15 = vector.load %arg0[%get3A_13, %get3A_14] : memref<10000x128xf32, #tpu.memory_space<vmem>>, vector<10000x128xf32>
    %get3A_16 = arith.constant 0 : index
    %get3A_17 = arith.constant 0 : index
    %get3A_18 = vector.load %arg2[%get3A_16, %get3A_17] : memref<128x128xf32, #tpu.memory_space<vmem>>, vector<128x128xf32>
    %dot_general3A = arith.constant dense<0.000000e+00> : vector<10000x128xf32>
    %dot_general3A_19 = tpu.matmul %get3A_15, %get3A_18, %dot_general3A {dimension_numbers = #tpu.dot_dimension_numbers<[1], [0], [0], [1], [0, 0, 1, 1], [], []>, transpose_lhs_hint = false} : vector<10000x128xf32>, vector<128x128xf32>, vector<10000x128xf32> -> vector<10000x128xf32>
    %get3A_20 = arith.constant 0 : index
    %get3A_21 = arith.constant 0 : index
    %get3A_22 = vector.load %arg3[%get3A_20, %get3A_21] : memref<128x128xf32, #tpu.memory_space<vmem>>, vector<128x128xf32>
    %dot_general3A_23 = arith.constant dense<0.000000e+00> : vector<10000x128xf32>
    %dot_general3A_24 = tpu.matmul %sub3A_12, %get3A_22, %dot_general3A_23 {dimension_numbers = #tpu.dot_dimension_numbers<[1], [0], [0], [1], [0, 0, 1, 1], [], []>, transpose_lhs_hint = false} : vector<10000x128xf32>, vector<128x128xf32>, vector<10000x128xf32> -> vector<10000x128xf32>
    %add3A_25 = arith.addf %dot_general3A_19, %dot_general3A_24 : vector<10000x128xf32>
    %get3A_26 = arith.constant 0 : index
    %get3A_27 = arith.constant 0 : index
    %get3A_28 = vector.load %arg4[%get3A_26, %get3A_27] : memref<1x128xf32, #tpu.memory_space<vmem>>, vector<1x128xf32>
    %add3A_29 = vector.broadcast %get3A_28 : vector<1x128xf32> to vector<10000x128xf32>
    %add3A_30 = arith.addf %add3A_25, %add3A_29 : vector<10000x128xf32>
    %max3A = arith.constant 0.000000e+00 : f32
    %max3A_31 = vector.broadcast %max3A : f32 to vector<10000x128xf32>
    %max3A_32 = arith.maximumf %add3A_30, %max3A_31 : vector<10000x128xf32>
    %get3A_33 = arith.constant 0 : index
    %get3A_34 = arith.constant 0 : index
    %get3A_35 = vector.load %arg5[%get3A_33, %get3A_34] : memref<128x128xf32, #tpu.memory_space<vmem>>, vector<128x128xf32>
    %dot_general3A_36 = arith.constant dense<0.000000e+00> : vector<10000x128xf32>
    %dot_general3A_37 = tpu.matmul %max3A_32, %get3A_35, %dot_general3A_36 {dimension_numbers = #tpu.dot_dimension_numbers<[1], [0], [0], [1], [0, 0, 1, 1], [], []>, transpose_lhs_hint = false} : vector<10000x128xf32>, vector<128x128xf32>, vector<10000x128xf32> -> vector<10000x128xf32>
    %get3A_38 = arith.constant 0 : index
    %get3A_39 = arith.constant 0 : index
    %get3A_40 = vector.load %arg6[%get3A_38, %get3A_39] : memref<1x128xf32, #tpu.memory_space<vmem>>, vector<1x128xf32>
    %add3A_41 = vector.broadcast %get3A_40 : vector<1x128xf32> to vector<10000x128xf32>
    %add3A_42 = arith.addf %dot_general3A_37, %add3A_41 : vector<10000x128xf32>
    %swap3A = arith.constant 0 : index
    %swap3A_43 = arith.constant 0 : index
    %swap3A_44 = vector.load %arg7[%swap3A, %swap3A_43] : memref<10000x128xf32, #tpu.memory_space<vmem>>, vector<10000x128xf32>
    tpu.vector_store %arg7[%swap3A, %swap3A_43], %add3A_42 {strides = array<i32>} : memref<10000x128xf32, #tpu.memory_space<vmem>>, vector<10000x128xf32>,
    return
  }
}

</mosaic_0001>

<sc_bundles>
// kernel: kernel.4.cloned.1.call-start
scs
__scs_entry_jumppad:
0x0: {  	(pc) =	sbr.rel $0x88, $3  }
0x1: {  	(tag) =	ssettag $0x0;
	lr =	simm.s32 $0x1  }
0x2: {  	[smem:$0x3F9A] =	sst lr;
	_ =	strace $0xD0000000  }
0x3: {  	_ = 	snop  }
0x4: {  	_ = 	snop  }
0x5: {  	_ = 	snop  }
0x6: {  	_ = 	snop  }
0x7: {  	_ = 	snop  }
__scs_overlays_trampoline_lowered:
0x8: {  	[smem:$0x3FA9] =	sst s0  }
0x9: {  	[smem:$0x3FAA] =	sst s1  }
0xa: {  	[smem:$0x3FAB] =	sst s2  }
0xb: {  	[smem:$0x3FAC] =	sst s3  }
0xc: {  	[smem:$0x3FAD] =	sst s4  }
0xd: {  	[smem:$0x3FAE] =	sst s5  }
0xe: {  	[smem:$0x3FAF] =	sst s6  }
0xf: {  	[smem:$0x3FB0] =	sst s7  }
0x10: {  	[smem:$0x3FB1] =	sst s8  }
0x11: {  	[smem:$0x3FB2] =	sst s9;
	s0 =	simm.s32 @!p0 $0x0  }
0x12: {  	s1 =	sld [smem:$0x3F98];
	s0 =	simm.s32 @p0 $0x1  }
0x13: {  	[smem:$0x3FB3] =	sst s0;
	s0 =	simm.s32 @!p1 $0x0  }
0x14: {  	s2 =	sld [smem:$0x3F97];
	s0 =	simm.s32 @p1 $0x1  }
0x15: {  	[smem:$0x3FB4] =	sst s0;
	s0 =	simm.s32 @!p2 $0x0  }
0x16: {  	s3 =	sld [smem:$0x3FDB];
	s0 =	simm.s32 @p2 $0x1  }
0x17: {  	s4 =	simm.s32 $0x1BF5;
	[smem:$0x3FB6] =	sst s0  }
0x18: {  	s0 =	sld [smem:$0x3F99];
	_ =	swait.ge [sflag:s4], $0x0  }
0x19: {  	s7 =	sld [smem:$0x3F9A]  }
0x1a: {  	s8 =	sadd.s32 $0xFFFFE003, lr  }
0x1b: {  	s9 =	sadd.s32 $0xFFFFFEF7, lr;
	s5 =	simm.s32 $0xFFFFFFFF;
	p2 =	slt.u32 s8, $0xFFFFF086  }
0x1c: {  	p1 =	slt.u32 s9, $0xF7A;
	s5 =	simm.s32 @!p2 $0x0  }
0x1d: {  	s5 =	simm.s32 @p1 $0x1;
	p0 =	seq.s32 s7, s2  }
0x1e: {  	s7 =	smul.u32 @!p0 $0xF7A, s2;
	p2 =	seq.s32 @!p0 s5, $0x0  }
0x1f: {  	s9 =	smul.u32 $0xF7A, s1;
	s8 =	simm.s32 @!p0 $0x1BF5;
	p2 =	por !p2, p0  }
0x20: {  	[sflag:s8] =	ssyncset.s32 @!p0 $0xFFFFF086;
	s6 =	sadd.s32 @!p0 s3, s7;
	s7 =	simm.s32 @!p0 $0x108  }
0x21: {  	s3 =	sadd.s32 s3, s9;
	s6 =	sadd.s32 @!p0 $0x88, s6;
	s7 =	simm.s32 @p2 $0x1082  }
0x22: {  	[simem:s7], [sflag:s8] =	dma.local @!p0 [hbm:s6], $0xF7A  }
0x23: {  	s9 =	sor.u32 $0xD0000000, s2;
	s6 =	simm.s32 $0x108;
	_ =	swait.ge @!p0 [sflag:s8], $0x0  }
0x24: {  	s3 =	sadd.s32 $0x88, s3;
	s6 =	simm.s32 @!p1 $0x1082;
	[sflag:s4] =	ssyncset.s32 $0xFFFFF086  }
0x25: {  	[simem:s6], [sflag:s4] =	dma.local [hbm:s3], $0xF7A  }
0x26: {  	[smem:$0x3F9A] =	sst s1;
	(tag) =	ssettag s2;
	_ =	strace s9  }
0x27: {  	s1 =	sld [smem:$0x3FAA]  }
0x28: {  	s2 =	sld [smem:$0x3FAB]  }
0x29: {  	s4 =	sld [smem:$0x3FAD]  }
0x2a: {  	p0 =	seq.s32 s5, $0x0;
	s5 =	sld [smem:$0x3FAE]  }
0x2b: {  	s6 =	sld [smem:$0x3FAF]  }
0x2c: {  	s7 =	sld [smem:$0x3FB0]  }
0x2d: {  	s3 =	simm.s32 $0x108;
	s8 =	sld [smem:$0x3FB1]  }
0x2e: {  	s3 =	simm.s32 @!p0 $0x1082;
	s9 =	sld [smem:$0x3FB2]  }
0x2f: {  	lr =	sadd.s32 s0, s3;
	s0 =	sld [smem:$0x3FA9]  }
0x30: {  	s3 =	sld [smem:$0x3FAC]  }
0x31: {  	[smem:$0x3FB5] =	sst s10  }
0x32: {  	s10 =	sld [smem:$0x3FB3];
	_ =	sdelay $0x3  }
0x33: {  	p0 =	seq.s32 s10, $0x1;
	s10 =	sld [smem:$0x3FB5];
	_ =	sdelay $0x3  }
0x34: {  	[smem:$0x3FB5] =	sst s10  }
0x35: {  	s10 =	sld [smem:$0x3FB4];
	_ =	sdelay $0x3  }
0x36: {  	p1 =	seq.s32 s10, $0x1;
	s10 =	sld [smem:$0x3FB5];
	_ =	sdelay $0x3  }
0x37: {  	[smem:$0x3FB5] =	sst s10  }
0x38: {  	s10 =	sld [smem:$0x3FB6]  }
0x39: {  	_ = 	snop;
	(pc) =	sbr.ind lr, $3  }
0x3a: {  	_ = 	snop  }
0x3b: {  	_ = 	snop  }
0x3c: {  	p2 =	seq.s32 s10, $0x1;
	s10 =	sld [smem:$0x3FB5]  }
0x3d: {  	_ =	shalt  }
0x3e: {  	_ =	shalt  }
0x3f: {  	_ =	shalt  }
0x40: {  	_ =	shalt  }
0x41: {  	_ =	shalt  }
0x42: {  	_ =	shalt  }
0x43: {  	_ =	shalt  }
0x44: {  	_ =	shalt  }
0x45: {  	_ =	shalt  }
0x46: {  	_ =	shalt  }
0x47: {  	_ =	shalt  }
0x48: {  	_ =	shalt  }
0x49: {  	_ =	shalt  }
0x4a: {  	_ =	shalt  }
0x4b: {  	_ =	shalt  }
0x4c: {  	_ =	shalt  }
0x4d: {  	_ =	shalt  }
0x4e: {  	_ =	shalt  }
0x4f: {  	_ =	shalt  }
0x50: {  	_ =	shalt  }
0x51: {  	_ =	shalt  }
0x52: {  	_ =	shalt  }
0x53: {  	_ =	shalt  }
0x54: {  	_ =	shalt  }
0x55: {  	_ =	shalt  }
0x56: {  	_ =	shalt  }
0x57: {  	_ =	shalt  }
0x58: {  	_ =	shalt  }
0x59: {  	_ =	shalt  }
0x5a: {  	_ =	shalt  }
0x5b: {  	_ =	shalt  }
0x5c: {  	_ =	shalt  }
0x5d: {  	_ =	shalt  }
0x5e: {  	_ =	shalt  }
0x5f: {  	_ =	shalt  }
0x60: {  	_ =	shalt  }
0x61: {  	_ =	shalt  }
0x62: {  	_ =	shalt  }
0x63: {  	_ =	shalt  }
0x64: {  	_ =	shalt  }
0x65: {  	_ =	shalt  }
0x66: {  	_ =	shalt  }
0x67: {  	_ =	shalt  }
0x68: {  	_ =	shalt  }
0x69: {  	_ =	shalt  }
0x6a: {  	_ =	shalt  }
0x6b: {  	_ =	shalt  }
0x6c: {  	_ =	shalt  }
0x6d: {  	_ =	shalt  }
0x6e: {  	_ =	shalt  }
0x6f: {  	_ =	shalt  }
0x70: {  	_ =	shalt  }
0x71: {  	_ =	shalt  }
0x72: {  	_ =	shalt  }
0x73: {  	_ =	shalt  }
0x74: {  	_ =	shalt  }
0x75: {  	_ =	shalt  }
0x76: {  	_ =	shalt  }
0x77: {  	_ =	shalt  }
0x78: {  	_ =	shalt  }
0x79: {  	_ =	shalt  }
0x7a: {  	_ =	shalt  }
0x7b: {  	_ =	shalt  }
0x7c: {  	_ =	shalt  }
0x7d: {  	_ =	shalt  }
0x7e: {  	_ =	shalt  }
0x7f: {  	_ =	shalt  }
0x80: {  	_ =	shalt  }
0x81: {  	_ =	shalt  }
0x82: {  	_ =	shalt  }
0x83: {  	_ =	shalt  }
0x84: {  	_ =	shalt  }
0x85: {  	_ =	shalt  }
0x86: {  	_ =	shalt  }
0x87: {  	_ =	shalt  }
.Lfunc_end0:
.L_simem_size_0:
called_computation_lowered:
.L_overlay_start_0:
0x88: {  	s2 =	sld [smem:$0x3FD9]  }
0x89: {  	s3 =	sld [smem:$0x3FFE];
	_ =	sdelay $0x1  }
0x8a: {  	s1 =	srdreg.scid  }
0x8b: {  	s0 =	sand.u32 $0x1, s1  }
0x8c: {  	s15 =	sshll.u32 s0, $0xA;
	s2 =	sadd.s32 s3, s2  }
0x8d: {  	s2 =	sadd.s32 s2, s15  }
0x8e: {  	[smem:$0x3FC1] =	sst s2  }
0x8f: {  	_ = 	snop  }
0x90: {  	s2 =	sld [smem:$0x3FD0];
	_ =	sdelay $0x2  }
0x91: {  	s4 =	simm.s32 $0xA;
	s5 =	simm.s32 $0x10;
	s16 =	sld [smem:$0x3FC7]  }
0x92: {  	[smem:s5], [sflag:s4] =	dma.local [hbm:s2], $0x1  }
0x93: {  	_ =	swait.eq [sflag:s4], $0x1  }
0x94: {  	s17 =	sld [smem:$0x10];
	[sflag:s4] =	ssyncset.done $0x0  }
0x95: {  	s18 =	sld [smem:$0x11];
	[sflag:s4] =	ssyncadd.s32 $0xFFFFFFFF  }
0x96: {  	s19 =	sld [smem:$0x12];
	(tm) =	ssettm $0x1  }
0x97: {  	s6 =	sld [smem:$0x3FFB];
	_ =	sdelay $0x3  }
0x98: {  	_ =	strace s6  }
0x99: {  	s6 =	sld [smem:$0x3FFC];
	_ =	sdelay $0x3  }
0x9a: {  	_ =	strace s6  }
0x9b: {  	s6 =	sld [smem:$0x3FFD];
	_ =	sdelay $0x3  }
0x9c: {  	_ =	strace s6  }
0x9d: {  	_ =	strace $0x8FFFFFFF  }
0x9e: {  	s20 =	sld [smem:$0x3FDB];
	_ =	sdelay $0x1  }
0x9f: {  	s7 =	simm.s32 $_scs_section_size  }
0xa0: {  	s8 =	simm.s32 $_size__tile_overlayer_lowered;
	s9 =	simm.s32 $_tile_overlayer_lowered  }
0xa1: {  	s23 =	simm.s32 $0x1BFF;
	s22 =	sshll.u32 s9, $0x1;
	s6 =	sadd.s32 s7, s20  }
0xa2: {  	s10 =	simm.s32 $0x0;
	s21 =	sshll.u32 s8, $0x1;
	s8 =	sadd.s32 s22, s6  }
0xa3: {  	[timem:s10], [sflag:s23] =	dma.local [hbm:s8], s21  }
0xa4: {  	_ =	swait.ge [sflag:s23], s21  }
0xa5: {  	s7 =	ssub.s32 $0x0, s21;
	[sflag:s23] =	ssyncset.done $0x0  }
0xa6: {  	[sflag:s23] =	ssyncadd.s32 s7;
	_ =	sdelay $0x1  }
0xa7: {  	s24 =	simm.s32 $0x1B8B  }
0xa8: {  	_ =	swait.ge [sflag:s24], $0x1  }
0xa9: {  	[sflag:s24] =	ssyncset.done $0x0  }
0xaa: {  	s25 =	simm.s32 $0x1B8E;
	[sflag:s24] =	ssyncadd.s32 $0xFFFFFFFF  }
0xab: {  	s26 =	simm.s32 $execute0_lowered;
	[smem:$0x3FD2] =	sst s25  }
0xac: {  	s7 =	sshll.u32 s26, $0x1;
	_ =	strace $0x80000046;
	[dreg:$0x1] =	wrdreg $0xFFFFFFFF  }
0xad: {  	s28 =	simm.s32 $_size_execute0_lowered;
	s6 =	sadd.s32 s6, s7;
	[dreg:$0x0] =	wrdreg $0x0  }
0xae: {  	s7 =	sshll.u32 s28, $0x1;
	[dreg:$0x2] =	wrdreg s6  }
0xaf: {  	[dreg:$0x3] =	wrdreg s7  }
0xb0: {  	[dreg:$0x4] =	wrdreg $0xC0  }
0xb1: {  	_ =	task [dreg:s10], $0x5FFFF  }
0xb2: {  	[dreg:$0x1] =	wrdreg $0xFFFFFFFF  }
0xb3: {  	[dreg:$0x0] =	wrdreg $0x60  }
0xb4: {  	[dreg:$0x2] =	wrdreg s16  }
0xb5: {  	[dreg:$0x3] =	wrdreg s18  }
0xb6: {  	[dreg:$0x4] =	wrdreg s17  }
0xb7: {  	[dreg:$0x5] =	wrdreg s19  }
0xb8: {  	[dreg:$0x6] =	wrdreg $0xA8000  }
0xb9: {  	[dreg:$0x7] =	wrdreg $0x9  }
0xba: {  	_ =	task.clear_ibuf [dreg:s10], $0x8FFFF;
	_ =	strace $0x90000046  }
0xbb: {  	s29 =	simm.s32 $0x9;
	_ =	strace $0x80000048  }
0xbc: {  	_ =	swait.ge [sflag:s29], $0x1  }
0xbd: {  	[sflag:s29] =	ssyncadd.s32 $0xFFFFFFFF  }
0xbe: {  	_ =	strace $0x90000048  }
0xbf: {  	_ =	sfence  }
0xc0: {  	s30 =	sld [smem:$0x0];
	_ =	sdelay $0x2  }
0xc1: {  	s31 =	sshll.u32 s1, $0xD;
	s1 =	sshrl.u32 s1, $0x2  }
0xc2: {  	s3 =	sand.u32 $0x4000, s31;
	s1 =	sadd.s32 s1, s30  }
0xc3: {  	s0 =	sor.u32 s3, s0;
	s1 =	sshll.u32 s1, $0x11  }
0xc4: {  	s0 =	sor.u32 s1, s0  }
0xc5: {  	s0 =	sadd.s32 $0x8F2B, s0  }
0xc6: {  	[sflag:s0] =	ssyncadd.remote.s32 $0x1  }
0xc7: {  	_ =	sfence.sel $0xFFFF  }
0xc8: {  	[dreg:$0x0] =	wrdreg $0xFFFFFFFF;
	(pc) =	sbr.abs _section_cstart, $3  }
0xc9: {  	[dreg:$0x1] =	wrdreg $0xFFFFFFFF  }
0xca: {  	_ =	task.clear_ibuf [dreg:s10], $0x2FFFF;
	_ =	strace $0x9FFFFFFF  }
0xcb: {  	(tm) =	ssettm $0x7FFFFFFF  }
tec
execute0_lowered:
.L_overlay_start_1:
0x0: {  	(tag) =	ssettag $0x1  }
0x1: {  	s1 =	rddreg [dreg:$0x0]  }
0x2: {  	s0 =	rddreg [dreg:$0x1]  }
0x3: {  	s3 =	rddreg [dreg:$0x2];
	s20 =	stileid.u32  }
0x4: {  	s5 =	rddreg [dreg:$0x3];
	s7 =	smul.u32 $0x4E000, s20  }
0x5: {  	s2 =	rddreg [dreg:$0x4];
	s13 =	smul.u32 $0x13800, s20  }
0x6: {  	s4 =	simm.s32 $0x0;
	s6 =	srdreg.scid;
	s24 =	smul.u32 $0xFFFFFF60, s20  }
0x7: {  	[smem:$0x7FF] =	sst s4;
	s12 =	sand.u32 $0x1, s6;
	s28 =	smul.u32 $0x280000, s20  }
0x8: {  	s17 =	sshll.u32 s20, $0x1;
	s22 =	sshll.u32 s20, $0x6;
	s14 =	smul.u32 $0x138800, s12  }
0x9: {  	s19 =	sadd.s32 $0x138000, s2;
	s6 =	sor.u32 s12, s17;
	s16 =	smul.u32 $0xFFFFFFB0, s12  }
0xa: {  	_ =	strace $0x80000047;
	s8 =	ssub.s32 $0x2, s12;
	s10 =	smul.u32 $0xFFFFFFB0, s6  }
0xb: {  	s9 =	sshrl.u32 s8, $0x1;
	s7 =	sshrl.u32 s7, $0x2;
	s18 =	smul.u32 $0x500, s6  }
0xc: {  	s21 =	sshrl.u32 s13, $0x3;
	s11 =	smul.u32 $0x28000, s6;
	s6 =	sor.u32 $0x1C03, s22  }
0xd: {  	s22 =	simm.s32 $0x1;
	s15 =	ssub.s32 s8, s9;
	s17 =	sadd.s32 s7, s2  }
0xe: {  	s23 =	sadd.s32 s3, s21;
	s3 =	sadd.s32 $0x27000, s3;
	s26 =	sadd.s32 s13, s14  }
0xf: {  	s29 =	sshrl.u32 s14, $0x3;
	s21 =	simm.s32 $0x6800;
	[dreg:$0x6] =	wrdreg s23  }
0x10: {  	p0 =	slt.s32 s10, $0xFFFFF68C;
	[dreg:$0x7] =	wrdreg s3;
	s0 =	sadd.s32 s0, s18  }
0x11: {  	s3 =	sadd.s32 s16, s24;
	s18 =	smul.u32 $0x140000, s12;
	s30 =	sadd.s32 s5, s29  }
0x12: {  	s15 =	smax.u32 s15, $0x1;
	s17 =	sshrl.u32 s17, $0x3;
	s23 =	simm.s32 $0x80  }
0x13: {  	s24 =	simm.s32 $0x2;
	s10 =	simm.s32 @!p0 $0xFFFFF68C;
	[dreg:$0x8] =	wrdreg s0  }
0x14: {  	s0 =	sshrl.u32 s26, $0x3;
	p0 =	slt.s32 s3, $0xFFFFF68C;
	s13 =	sadd.s32 $0x27000, s30  }
0x15: {  	s8 =	sadd.s32 $0x9C4, s10;
	s10 =	sadd.s32 s1, s11;
	s3 =	simm.s32 @!p0 $0xFFFFF68C  }
0x16: {  	s12 =	sadd.s32 s5, s0;
	s31 =	sadd.s32 s18, s28;
	p0 =	sne.s32 s20, $0xF  }
0x17: {  	s18 =	simm.s32 $0x3;
	s20 =	simm.s32 $0x2800;
	s25 =	sadd.s32 $0x800, s10  }
0x18: {  	s3 =	sadd.s32 $0x9C4, s3;
	s16 =	sor.u32 $0x8000, s31;
	s19 =	sshrl.u32 @!p0 s19, $0x3  }
0x19: {  	[dreg:$0x9] =	wrdreg s25;
	s14 =	sshrl.u32 s3, $0x1;
	s25 =	simm.s32 $0x0  }
.LBB2_1:
0x1a: {  	s0 =	rddreg [dreg:$0x6]  }
0x1b: {  	[spmem:s17], [sflag:s6] =	dma.local [hbm:s0], $0x2700  }
0x1c: {  	_ =	swait.ge [sflag:s18], $0x2700  }
0x1d: {  	[sflag:s18] =	ssyncset.done $0x0  }
0x1e: {  	s26 =	simm.s32 @!p0 $0x3;
	s0 =	rddreg [dreg:$0x7];
	[sflag:s18] =	ssyncadd.s32 $0xFFFFD900  }
0x1f: {  	[spmem:s19], [sflag:s6] =	dma.local @!p0 [hbm:s0], $0x100  }
0x20: {  	_ =	swait.ge @!p0 [sflag:s26], $0x100  }
0x21: {  	[sflag:s26] =	ssyncset.done @!p0 $0x0  }
0x22: {  	[sflag:s26] =	ssyncadd.s32 @!p0 $0xFFFFFF00  }
0x23: {  	[bflag:$0x0] =	sbarrier.arrive $0xFFFF  }
0x24: {  	s7 =	rddreg [dreg:$0x8]  }
0x25: {  	[tilespmem:s4], [sflag:$0x3] =	stream.linear.gather [hbm4b:s7+s4], $0x2800, $0x38;
	[tilespmem:$0x1E080] =	vst v63  }
0x26: {  	_ =	swait.ge [sflag:s18], $0x2800  }
0x27: {  	[sflag:s18] =	ssyncset.done $0x0  }
0x28: {  	[sflag:s18] =	ssyncadd.s32 $0xFFFFD800  }
0x29: {  	[tilespmem:s20], [sflag:$0x1] =	stream.linear.gather [hbm4b:s10+s4], $0x4000, $0x38;
	[tilespmem:$0x1E080] =	vst v63  }
0x2a: {  	s9 =	rddreg [dreg:$0x9]  }
0x2b: {  	[tilespmem:s21], [sflag:$0x2] =	stream.linear.gather [hbm4b:s9+s4], $0x4000, $0x38;
	[tilespmem:$0x1E080] =	vst v63  }
0x2c: {  	_ =	swait.ge [sflag:s22], $0x4000  }
0x2d: {  	[sflag:s22] =	ssyncset.done $0x0  }
0x2e: {  	s11 =	simm.s32 $0x0;
	[sflag:s22] =	ssyncadd.s32 $0xFFFFC000  }
0x2f: {  	[spmem:s2] =	stream.indirect.scatter.add.f32 [tilespmem:s20], [sflag:$0x3], $0x80, s11, s23, $0xb8;
	[tilespmem:$0x1E080] =	vst v63  }
0x30: {  	s28 =	sadd.s32 $0xFFFFFFFF, s14;
	p1 =	sle.s32 s8, $0x2;
	_ =	swait.ge [sflag:s18], $0x4000  }
0x31: {  	s3 =	simm.s32 @!p1 $0x2800;
	s0 =	sshrl.u32 @!p1 s16, $0x3;
	[sflag:s18] =	ssyncset.done $0x0  }
0x32: {  	s5 =	simm.s32 @!p1 $0x0;
	s0 =	sadd.s32 @!p1 s1, s0;
	[sflag:s18] =	ssyncadd.s32 $0xFFFFC000  }
0x33: {  	[tilespmem:s3], [sflag:$0x1] =	stream.linear.gather @!p1 [hbm4b:s0+s5], $0x4000, $0x38;
	[tilespmem:$0x1E080] =	vst v63  }
0x34: {  	s29 =	sadd.s32 $0x8000, s16;
	p1 =	sne.s32 s28, $0x0;
	_ =	swait.ge [sflag:s24], $0x4000  }
.Ltmp0:
0x35: {  	s30 =	simm.s32 $0x4;
	[sflag:s24] =	ssyncset.done $0x0;
	(pc) =	sbr.rel @!p1 .LBB2_3-.Ltmp0, $4  }
0x36: {  	p2 =	sle.s32 s8, $0x3;
	s31 =	simm.s32 $0x180;
	[sflag:s24] =	ssyncadd.s32 $0xFFFFC000  }
0x37: {  	[spmem:s2] =	stream.indirect.scatter.add.f32 [tilespmem:s21], [sflag:$0x3], $0x80, s23, s23, $0xb8;
	[tilespmem:$0x1E080] =	vst v63  }
0x38: {  	s3 =	sadd.s32 @!p2 $0x4000, s16;
	s0 =	simm.s32 @!p2 $0x6800;
	_ =	swait.ge [sflag:s18], $0x4000  }
0x39: {  	s5 =	sshrl.u32 @!p2 s3, $0x3;
	s3 =	simm.s32 @!p2 $0x0;
	[sflag:s18] =	ssyncset.done $0x0  }
.LBB2_2:
0x3a: {  	s28 =	sadd.s32 $0xFFFFFFFF, s28;
	[sflag:s18] =	ssyncadd.s32 $0xFFFFC000;
	s5 =	sadd.s32 @!p2 s1, s5  }
0x3b: {  	[tilespmem:s0], [sflag:$0x2] =	stream.linear.gather @!p2 [hbm4b:s5+s3], $0x4000, $0x38;
	[tilespmem:$0x1E080] =	vst v63  }
0x3c: {  	p1 =	sne.s32 s28, $0x0;
	s0 =	smov.u32 s29;
	_ =	swait.ge [sflag:s22], $0x4000  }
0x3d: {  	s3 =	sadd.s32 $0xFFFFFF80, s31;
	s5 =	smov.u32 s30;
	[sflag:s22] =	ssyncset.done $0x0  }
0x3e: {  	s7 =	smov.u32 s31;
	p2 =	sge.s32 s30, s8;
	[sflag:s22] =	ssyncadd.s32 $0xFFFFC000  }
0x3f: {  	[spmem:s2] =	stream.indirect.scatter.add.f32 [tilespmem:s20], [sflag:$0x3], $0x80, s3, s23, $0xb8;
	[tilespmem:$0x1E080] =	vst v63  }
0x40: {  	s9 =	simm.s32 @!p2 $0x2800;
	s3 =	sshrl.u32 @!p2 s29, $0x3;
	_ =	swait.ge [sflag:s18], $0x4000  }
0x41: {  	s11 =	simm.s32 @!p2 $0x0;
	s3 =	sadd.s32 @!p2 s1, s3;
	[sflag:s18] =	ssyncset.done $0x0  }
0x42: {  	[sflag:s18] =	ssyncadd.s32 $0xFFFFC000  }
0x43: {  	[tilespmem:s9], [sflag:$0x1] =	stream.linear.gather @!p2 [hbm4b:s3+s11], $0x4000, $0x38;
	[tilespmem:$0x1E080] =	vst v63  }
0x44: {  	s30 =	sadd.s32 $0x2, s30;
	s29 =	sadd.s32 $0x8000, s29;
	_ =	swait.ge [sflag:s24], $0x4000  }
.Ltmp1:
0x45: {  	s3 =	sadd.s32 $0x1, s5;
	[sflag:s24] =	ssyncset.done $0x0;
	(pc) =	sbr.rel @p1 .LBB2_2-.Ltmp1, $4  }
0x46: {  	s31 =	sadd.s32 $0x100, s31;
	p2 =	sge.s32 s3, s8;
	[sflag:s24] =	ssyncadd.s32 $0xFFFFC000  }
0x47: {  	[spmem:s2] =	stream.indirect.scatter.add.f32 [tilespmem:s21], [sflag:$0x3], $0x80, s7, s23, $0xb8;
	[tilespmem:$0x1E080] =	vst v63  }
0x48: {  	s3 =	sadd.s32 @!p2 $0x4000, s0;
	s0 =	simm.s32 @!p2 $0x6800;
	_ =	swait.ge [sflag:s18], $0x4000  }
0x49: {  	s5 =	sshrl.u32 @!p2 s3, $0x3;
	s3 =	simm.s32 @!p2 $0x0;
	[sflag:s18] =	ssyncset.done $0x0  }
.LBB2_3:
0x4a: {  	[sflag:s18] =	ssyncadd.s32 $0xFFFFC000;
	s5 =	sadd.s32 @!p2 s1, s5  }
0x4b: {  	[tilespmem:s0], [sflag:$0x2] =	stream.linear.gather @!p2 [hbm4b:s5+s3], $0x4000, $0x38;
	[tilespmem:$0x1E080] =	vst v63  }
0x4c: {  	[bflag:$0x0] =	sbarrier.arrive $0xFFFF  }
0x4d: {  	[hbm:s12], [sflag:s6] =	dma.local [spmem:s17], $0x2700  }
0x4e: {  	s25 =	sadd.s32 $0x1, s25;
	_ =	swait.ge [sflag:s18], $0x2700  }
0x4f: {  	p1 =	sne.s32 s25, s15;
	[sflag:s18] =	ssyncset.done $0x0  }
.Ltmp2:
0x50: {  	[sflag:s18] =	ssyncadd.s32 $0xFFFFD900;
	(pc) =	sbr.rel @p1 .LBB2_1-.Ltmp2, $4  }
0x51: {  	[hbm:s13], [sflag:s6] =	dma.local @!p0 [spmem:s19], $0x100  }
0x52: {  	_ =	swait.ge @!p0 [sflag:s26], $0x100  }
0x53: {  	[sflag:s26] =	ssyncset.done @!p0 $0x0  }
0x54: {  	[sflag:s26] =	ssyncadd.s32 @!p0 $0xFFFFFF00  }
0x55: {  	_ =	sfence.sel $0x180000  }
0x56: {  	[bflag:$0x0] =	sbarrier.arrive $0xFFFF  }
0x57: {  	_ =	strace $0x90000047  }
0x58: {  	s0 =	stileid.u32;
	[bflag:$0x2] =	sbarrier.arrive $0xFFFF  }
0x59: {  	p0 =	sne.s32 s0, $0x0;
	s0 =	rddreg [dreg:$0x5]  }
0x5a: {  	s0 =	sadd.s32 @!p0 $0x100000, s0  }
0x5b: {  	[sflag:s0] =	ssyncadd.tile.s32 @!p0 $0x1;
	_ =	shalt  }
.Lfunc_end2:
_tile_overlayer_lowered:
.L_overlay_start_2:
0x5c: {  	(tag) =	ssettag $0x2  }
0x5d: {  	s0 =	rddreg [dreg:$0x0];
	s2 =	stileid.u32  }
0x5e: {  	s1 =	rddreg [dreg:$0x1];
	p0 =	sne.s32 s2, $0x0  }
0x5f: {  	s3 =	rddreg [dreg:$0x2];
	[bflag:$0x3] =	sbarrier.arrive $0xFFFF;
	s2 =	simm.s32 @!p0 $0x1C03  }
0x60: {  	[timem:s3], [sflag:s2] =	dma.local @!p0 [hbm:s0], s1  }
0x61: {  	s0 =	simm.s32 @!p0 $0x3  }
0x62: {  	_ =	swait.ge @!p0 [sflag:s0], s1  }
0x63: {  	s1 =	ssub.s32 @!p0 $0x0, s1;
	[sflag:s0] =	ssyncset.done @!p0 $0x0  }
0x64: {  	[sflag:s0] =	ssyncadd.s32 @!p0 s1  }
0x65: {  	[bflag:$0x3] =	sbarrier.arrive $0xFFFF  }
0x66: {  	_ =	shalt  }

</sc_bundles>
